<compile_context>
chip_gen: v7x
topology: tpu7x:2x2x1
jax: 0.10.2.dev20260603
libtpu: 0.0.44.dev20260713+nightly
codegen_flags: <defaults>
</compile_context>

<pallas_src>
import functools

import jax
import jax.numpy as jnp
from jax.experimental import pallas as pl
from jax.experimental.pallas import tpu as pltpu
from jax.experimental.pallas import tpu_sc as plsc

_NUM_EMB = 1024
_DIM = 16384
_BATCH = 8
_BK = 128
_NW = 4
_CW = _DIM // _NW


def _dist_body(flat_ref, *refs):
    w_refs = refs[:_NW]
    idx_ref, loss_ref, minval_ref, minidx_ref = refs[_NW:]
    k = pl.program_id(0)
    nk = pl.num_programs(0)
    flat = flat_ref[...]
    dot = None
    w_sq = None
    for j in range(_NW):
        wj = w_refs[j][...]
        dj = jax.lax.dot_general(
            flat[:, j * _CW:(j + 1) * _CW], wj, (((1,), (1,)), ((), ())),
            preferred_element_type=jnp.float32)
        sj = jnp.sum(wj * wj, axis=1)
        dot = dj if dot is None else dot + dj
        w_sq = sj if w_sq is None else w_sq + sj
    d2p = w_sq[None, :] - 2.0 * dot
    local_min = jnp.min(d2p, axis=1, keepdims=True)
    lane = jax.lax.broadcasted_iota(jnp.int32, d2p.shape, 1)
    local_arg = jnp.min(
        jnp.where(d2p == local_min, lane, _NUM_EMB), axis=1, keepdims=True
    ) + k * _BK

    @pl.when(k == 0)
    def _():
        minval_ref[...] = local_min
        minidx_ref[...] = local_arg

    @pl.when(k > 0)
    def _():
        better = local_min < minval_ref[...]
        minval_ref[...] = jnp.where(better, local_min, minval_ref[...])
        minidx_ref[...] = jnp.where(better, local_arg, minidx_ref[...])

    @pl.when(k == nk - 1)
    def _():
        x_sq = jnp.sum(flat * flat, axis=1, keepdims=True)
        d2min = minval_ref[...] + x_sq
        loss_ref[...] = (1.25 / (_BATCH * _DIM)) * jnp.sum(
            d2min, keepdims=True)
        idx_ref[...] = minidx_ref[...]


def _distances_argmin(flat, emb_weight):
    grid = _NUM_EMB // _BK
    idx, loss = pl.pallas_call(
        _dist_body,
        grid=(grid,),
        in_specs=[
            pl.BlockSpec((_BATCH, _DIM), lambda k: (0, 0)),
        ] + [
            pl.BlockSpec((_BK, _CW), lambda k, j=j: (k, j))
            for j in range(_NW)
        ],
        out_specs=[
            pl.BlockSpec((_BATCH, 1), lambda k: (0, 0)),
            pl.BlockSpec((1, 1), lambda k: (0, 0)),
        ],
        out_shape=[
            jax.ShapeDtypeStruct((_BATCH, 1), jnp.int32),
            jax.ShapeDtypeStruct((1, 1), jnp.float32),
        ],
        scratch_shapes=[
            pltpu.VMEM((_BATCH, 1), jnp.float32),
            pltpu.VMEM((_BATCH, 1), jnp.int32),
        ],
    )(flat, *([emb_weight] * _NW))
    return idx, loss


def _sc_gather(emb_weight, idx):
    rows_per_core = _BATCH // 2

    @functools.partial(
        pl.kernel,
        out_type=jax.ShapeDtypeStruct((_BATCH, _DIM), jnp.float32),
        mesh=plsc.ScalarSubcoreMesh(axis_name="core", num_cores=2),
        scratch_types=[
            pltpu.SMEM((_BATCH,), jnp.int32),
            pltpu.SemaphoreType.DMA,
            pltpu.SemaphoreType.DMA,
        ],
    )
    def gather_kernel(idx_hbm, w_hbm, out_hbm, idx_smem, sem_idx, sem_rows):
        core = jax.lax.axis_index("core")
        pltpu.async_copy(idx_hbm, idx_smem, sem_idx).wait()
        copies = [
            pltpu.async_copy(
                w_hbm.at[idx_smem[core * rows_per_core + i]],
                out_hbm.at[core * rows_per_core + i],
                sem_rows,
            )
            for i in range(rows_per_core)
        ]
        for c in copies:
            c.wait()

    return gather_kernel(idx, emb_weight)


def kernel(inputs, emb_weight):
    B = inputs.shape[0]
    flat = inputs.reshape(B, -1)
    idx, loss = _distances_argmin(flat, emb_weight)
    quantized = _sc_gather(emb_weight, idx.reshape(B))
    return (
        quantized.reshape(inputs.shape),
        loss.reshape(()),
        idx,
    )

# --- scband reference (transcript-rebuilt; emitter-appended) ---
"""Pipeline reference for scband-vector-quantizer-gt-17291538334248 (READ-ONLY COPY).

The authoritative reference and input builder live on the scoring server;
editing this copy changes nothing except your own understanding.
"""

import jax, jax.numpy as jnp
import numpy as np

NUM_EMBEDDINGS = 1024
EMBEDDING_DIM = 16384
COMMITMENT_COST = 0.25


def setup_inputs(seed: int = 0) -> dict:
    key = jax.random.key(seed)
    k1, k2 = jax.random.split(key)
    inputs = jax.random.normal(k1, (8, 256, 8, 8), dtype=jnp.float32)
    emb_weight = jax.random.normal(k2, (NUM_EMBEDDINGS, EMBEDDING_DIM), dtype=jnp.float32)
    return {"inputs": inputs, "emb_weight": emb_weight}


def reference(inputs, emb_weight):
    B = inputs.shape[0]
    flat = inputs.reshape(B, -1)  # [B, 16384]
    # torch.cdist(flat.unsqueeze(1), W.unsqueeze(0)) -> euclidean distances [B, 1, K]
    x_sq = jnp.sum(flat * flat, axis=1, keepdims=True)          # [B, 1]
    w_sq = jnp.sum(emb_weight * emb_weight, axis=1)[None, :]    # [1, K]
    d2 = x_sq - 2.0 * (flat @ emb_weight.T) + w_sq               # [B, K]
    distances = jnp.sqrt(jnp.maximum(d2, 0.0))[:, None, :]       # [B, 1, K]
    encoding_indices = jnp.argmin(distances, axis=2)              # [B, 1]
    quantized = jnp.take(emb_weight, encoding_indices, axis=0)   # [B, 1, D]
    quantized = quantized.reshape(B, 256, 8, 8)
    commitment_loss = jnp.mean((quantized - jax.lax.stop_gradient(inputs)) ** 2)
    embedding_loss = jnp.mean((jax.lax.stop_gradient(quantized) - inputs) ** 2)
    loss = COMMITMENT_COST * commitment_loss + embedding_loss
    return (quantized, loss, encoding_indices)

if __name__ == "__main__":
    import jax
    _d = setup_inputs()
    print(jax.jit(kernel)(*tuple(_d.values())))

</pallas_src>

<mosaic_0001>
#map = affine_map<(d0) -> (0)>
#map1 = affine_map<(d0) -> (0, 0)>
module attributes {stable_mosaic.version = 14 : i64} {
  func.func @gather_kernel(%arg0: i32, %arg1: memref<8xi32, #tpu.memory_space<hbm>>, %arg2: memref<1024x16384xf32, #tpu.memory_space<hbm>>, %arg3: memref<8x16384xf32, #tpu.memory_space<hbm>>, %arg4: memref<8xi32, #tpu.memory_space<smem>>, %arg5: memref<!tpu.dma_semaphore, #tpu.memory_space<semaphore_mem>>, %arg6: memref<!tpu.dma_semaphore, #tpu.memory_space<semaphore_mem>>) attributes {dimension_semantics = [#tpu.dimension_semantics<core_parallel>], iteration_bounds = array<i64: 2>, scalar_prefetch = 0 : i64, scratch_operands = 3 : i64, tpu.core_type = #tpu.core_type<sc_scalar_subcore>, window_params = [{transform_indices = #map}, {transform_indices = #map1}, {transform_indices = #map1}]} {
    tpu.enqueue_dma source(%arg1 : memref<8xi32, #tpu.memory_space<hbm>>) target(%arg4 : memref<8xi32, #tpu.memory_space<smem>>) target_semaphore(%arg5 : memref<!tpu.dma_semaphore, #tpu.memory_space<semaphore_mem>>)
    tpu.wait_dma2 semaphore(%arg5 : memref<!tpu.dma_semaphore, #tpu.memory_space<semaphore_mem>>) src(%arg1 : memref<8xi32, #tpu.memory_space<hbm>>) dst(%arg4 : memref<8xi32, #tpu.memory_space<smem>>)
    %mul3A = arith.constant 4 : i32
    %mul3A_0 = arith.muli %arg0, %mul3A : i32
    %add3A = arith.constant 0 : i32
    %add3A_1 = arith.addi %mul3A_0, %add3A : i32
    %get3A = arith.index_cast %add3A_1 : i32 to index
    %get3A_2 = memref.load %arg4[%get3A] : memref<8xi32, #tpu.memory_space<smem>>
    %mul3A_3 = arith.constant 4 : i32
    %mul3A_4 = arith.muli %arg0, %mul3A_3 : i32
    %add3A_5 = arith.constant 0 : i32
    %add3A_6 = arith.addi %mul3A_4, %add3A_5 : i32
    %dma_start3A = arith.constant 0 : i32
    %dma_start3A_7 = tpu.memref_slice %arg3[%add3A_6, %dma_start3A] : memref<8x16384xf32, #tpu.memory_space<hbm>> -> memref<1x16384xf32, #tpu.memory_space<hbm>>
    %dma_start3A_8 = tpu.memref_squeeze %dma_start3A_7 : memref<1x16384xf32, #tpu.memory_space<hbm>> -> memref<16384xf32, #tpu.memory_space<hbm>>
    %dma_start3A_9 = arith.constant 0 : i32
    %dma_start3A_10 = tpu.memref_slice %arg2[%get3A_2, %dma_start3A_9] : memref<1024x16384xf32, #tpu.memory_space<hbm>> -> memref<1x16384xf32, #tpu.memory_space<hbm>>
    %dma_start3A_11 = tpu.memref_squeeze %dma_start3A_10 : memref<1x16384xf32, #tpu.memory_space<hbm>> -> memref<16384xf32, #tpu.memory_space<hbm>>
    tpu.enqueue_dma source(%dma_start3A_11 : memref<16384xf32, #tpu.memory_space<hbm>>) target(%dma_start3A_8 : memref<16384xf32, #tpu.memory_space<hbm>>) target_semaphore(%arg6 : memref<!tpu.dma_semaphore, #tpu.memory_space<semaphore_mem>>)
    %mul3A_12 = arith.constant 4 : i32
    %mul3A_13 = arith.muli %arg0, %mul3A_12 : i32
    %add3A_14 = arith.constant 1 : i32
    %add3A_15 = arith.addi %mul3A_13, %add3A_14 : i32
    %get3A_16 = arith.index_cast %add3A_15 : i32 to index
    %get3A_17 = memref.load %arg4[%get3A_16] : memref<8xi32, #tpu.memory_space<smem>>
    %mul3A_18 = arith.constant 4 : i32
    %mul3A_19 = arith.muli %arg0, %mul3A_18 : i32
    %add3A_20 = arith.constant 1 : i32
    %add3A_21 = arith.addi %mul3A_19, %add3A_20 : i32
    %dma_start3A_22 = arith.constant 0 : i32
    %dma_start3A_23 = tpu.memref_slice %arg3[%add3A_21, %dma_start3A_22] : memref<8x16384xf32, #tpu.memory_space<hbm>> -> memref<1x16384xf32, #tpu.memory_space<hbm>>
    %dma_start3A_24 = tpu.memref_squeeze %dma_start3A_23 : memref<1x16384xf32, #tpu.memory_space<hbm>> -> memref<16384xf32, #tpu.memory_space<hbm>>
    %dma_start3A_25 = arith.constant 0 : i32
    %dma_start3A_26 = tpu.memref_slice %arg2[%get3A_17, %dma_start3A_25] : memref<1024x16384xf32, #tpu.memory_space<hbm>> -> memref<1x16384xf32, #tpu.memory_space<hbm>>
    %dma_start3A_27 = tpu.memref_squeeze %dma_start3A_26 : memref<1x16384xf32, #tpu.memory_space<hbm>> -> memref<16384xf32, #tpu.memory_space<hbm>>
    tpu.enqueue_dma source(%dma_start3A_27 : memref<16384xf32, #tpu.memory_space<hbm>>) target(%dma_start3A_24 : memref<16384xf32, #tpu.memory_space<hbm>>) target_semaphore(%arg6 : memref<!tpu.dma_semaphore, #tpu.memory_space<semaphore_mem>>)
    %mul3A_28 = arith.constant 4 : i32
    %mul3A_29 = arith.muli %arg0, %mul3A_28 : i32
    %add3A_30 = arith.constant 2 : i32
    %add3A_31 = arith.addi %mul3A_29, %add3A_30 : i32
    %get3A_32 = arith.index_cast %add3A_31 : i32 to index
    %get3A_33 = memref.load %arg4[%get3A_32] : memref<8xi32, #tpu.memory_space<smem>>
    %mul3A_34 = arith.constant 4 : i32
    %mul3A_35 = arith.muli %arg0, %mul3A_34 : i32
    %add3A_36 = arith.constant 2 : i32
    %add3A_37 = arith.addi %mul3A_35, %add3A_36 : i32
    %dma_start3A_38 = arith.constant 0 : i32
    %dma_start3A_39 = tpu.memref_slice %arg3[%add3A_37, %dma_start3A_38] : memref<8x16384xf32, #tpu.memory_space<hbm>> -> memref<1x16384xf32, #tpu.memory_space<hbm>>
    %dma_start3A_40 = tpu.memref_squeeze %dma_start3A_39 : memref<1x16384xf32, #tpu.memory_space<hbm>> -> memref<16384xf32, #tpu.memory_space<hbm>>
    %dma_start3A_41 = arith.constant 0 : i32
    %dma_start3A_42 = tpu.memref_slice %arg2[%get3A_33, %dma_start3A_41] : memref<1024x16384xf32, #tpu.memory_space<hbm>> -> memref<1x16384xf32, #tpu.memory_space<hbm>>
    %dma_start3A_43 = tpu.memref_squeeze %dma_start3A_42 : memref<1x16384xf32, #tpu.memory_space<hbm>> -> memref<16384xf32, #tpu.memory_space<hbm>>
    tpu.enqueue_dma source(%dma_start3A_43 : memref<16384xf32, #tpu.memory_space<hbm>>) target(%dma_start3A_40 : memref<16384xf32, #tpu.memory_space<hbm>>) target_semaphore(%arg6 : memref<!tpu.dma_semaphore, #tpu.memory_space<semaphore_mem>>)
    %mul3A_44 = arith.constant 4 : i32
    %mul3A_45 = arith.muli %arg0, %mul3A_44 : i32
    %add3A_46 = arith.constant 3 : i32
    %add3A_47 = arith.addi %mul3A_45, %add3A_46 : i32
    %get3A_48 = arith.index_cast %add3A_47 : i32 to index
    %get3A_49 = memref.load %arg4[%get3A_48] : memref<8xi32, #tpu.memory_space<smem>>
    %mul3A_50 = arith.constant 4 : i32
    %mul3A_51 = arith.muli %arg0, %mul3A_50 : i32
    %add3A_52 = arith.constant 3 : i32
    %add3A_53 = arith.addi %mul3A_51, %add3A_52 : i32
    %dma_start3A_54 = arith.constant 0 : i32
    %dma_start3A_55 = tpu.memref_slice %arg3[%add3A_53, %dma_start3A_54] : memref<8x16384xf32, #tpu.memory_space<hbm>> -> memref<1x16384xf32, #tpu.memory_space<hbm>>
    %dma_start3A_56 = tpu.memref_squeeze %dma_start3A_55 : memref<1x16384xf32, #tpu.memory_space<hbm>> -> memref<16384xf32, #tpu.memory_space<hbm>>
    %dma_start3A_57 = arith.constant 0 : i32
    %dma_start3A_58 = tpu.memref_slice %arg2[%get3A_49, %dma_start3A_57] : memref<1024x16384xf32, #tpu.memory_space<hbm>> -> memref<1x16384xf32, #tpu.memory_space<hbm>>
    %dma_start3A_59 = tpu.memref_squeeze %dma_start3A_58 : memref<1x16384xf32, #tpu.memory_space<hbm>> -> memref<16384xf32, #tpu.memory_space<hbm>>
    tpu.enqueue_dma source(%dma_start3A_59 : memref<16384xf32, #tpu.memory_space<hbm>>) target(%dma_start3A_56 : memref<16384xf32, #tpu.memory_space<hbm>>) target_semaphore(%arg6 : memref<!tpu.dma_semaphore, #tpu.memory_space<semaphore_mem>>)
    %dma_wait3A = arith.constant 0 : i32
    %dma_wait3A_60 = tpu.memref_slice %arg3[%add3A_6, %dma_wait3A] : memref<8x16384xf32, #tpu.memory_space<hbm>> -> memref<1x16384xf32, #tpu.memory_space<hbm>>
    %dma_wait3A_61 = tpu.memref_squeeze %dma_wait3A_60 : memref<1x16384xf32, #tpu.memory_space<hbm>> -> memref<16384xf32, #tpu.memory_space<hbm>>
    %dma_wait3A_62 = arith.constant 0 : i32
    %dma_wait3A_63 = tpu.memref_slice %arg2[%get3A_2, %dma_wait3A_62] : memref<1024x16384xf32, #tpu.memory_space<hbm>> -> memref<1x16384xf32, #tpu.memory_space<hbm>>
    %dma_wait3A_64 = tpu.memref_squeeze %dma_wait3A_63 : memref<1x16384xf32, #tpu.memory_space<hbm>> -> memref<16384xf32, #tpu.memory_space<hbm>>
    tpu.wait_dma2 semaphore(%arg6 : memref<!tpu.dma_semaphore, #tpu.memory_space<semaphore_mem>>) src(%dma_wait3A_64 : memref<16384xf32, #tpu.memory_space<hbm>>) dst(%dma_wait3A_61 : memref<16384xf32, #tpu.memory_space<hbm>>)
    %dma_wait3A_65 = arith.constant 0 : i32
    %dma_wait3A_66 = tpu.memref_slice %arg3[%add3A_21, %dma_wait3A_65] : memref<8x16384xf32, #tpu.memory_space<hbm>> -> memref<1x16384xf32, #tpu.memory_space<hbm>>
    %dma_wait3A_67 = tpu.memref_squeeze %dma_wait3A_66 : memref<1x16384xf32, #tpu.memory_space<hbm>> -> memref<16384xf32, #tpu.memory_space<hbm>>
    %dma_wait3A_68 = arith.constant 0 : i32
    %dma_wait3A_69 = tpu.memref_slice %arg2[%get3A_17, %dma_wait3A_68] : memref<1024x16384xf32, #tpu.memory_space<hbm>> -> memref<1x16384xf32, #tpu.memory_space<hbm>>
    %dma_wait3A_70 = tpu.memref_squeeze %dma_wait3A_69 : memref<1x16384xf32, #tpu.memory_space<hbm>> -> memref<16384xf32, #tpu.memory_space<hbm>>
    tpu.wait_dma2 semaphore(%arg6 : memref<!tpu.dma_semaphore, #tpu.memory_space<semaphore_mem>>) src(%dma_wait3A_70 : memref<16384xf32, #tpu.memory_space<hbm>>) dst(%dma_wait3A_67 : memref<16384xf32, #tpu.memory_space<hbm>>)
    %dma_wait3A_71 = arith.constant 0 : i32
    %dma_wait3A_72 = tpu.memref_slice %arg3[%add3A_37, %dma_wait3A_71] : memref<8x16384xf32, #tpu.memory_space<hbm>> -> memref<1x16384xf32, #tpu.memory_space<hbm>>
    %dma_wait3A_73 = tpu.memref_squeeze %dma_wait3A_72 : memref<1x16384xf32, #tpu.memory_space<hbm>> -> memref<16384xf32, #tpu.memory_space<hbm>>
    %dma_wait3A_74 = arith.constant 0 : i32
    %dma_wait3A_75 = tpu.memref_slice %arg2[%get3A_33, %dma_wait3A_74] : memref<1024x16384xf32, #tpu.memory_space<hbm>> -> memref<1x16384xf32, #tpu.memory_space<hbm>>
    %dma_wait3A_76 = tpu.memref_squeeze %dma_wait3A_75 : memref<1x16384xf32, #tpu.memory_space<hbm>> -> memref<16384xf32, #tpu.memory_space<hbm>>
    tpu.wait_dma2 semaphore(%arg6 : memref<!tpu.dma_semaphore, #tpu.memory_space<semaphore_mem>>) src(%dma_wait3A_76 : memref<16384xf32, #tpu.memory_space<hbm>>) dst(%dma_wait3A_73 : memref<16384xf32, #tpu.memory_space<hbm>>)
    %dma_wait3A_77 = arith.constant 0 : i32
    %dma_wait3A_78 = tpu.memref_slice %arg3[%add3A_53, %dma_wait3A_77] : memref<8x16384xf32, #tpu.memory_space<hbm>> -> memref<1x16384xf32, #tpu.memory_space<hbm>>
    %dma_wait3A_79 = tpu.memref_squeeze %dma_wait3A_78 : memref<1x16384xf32, #tpu.memory_space<hbm>> -> memref<16384xf32, #tpu.memory_space<hbm>>
    %dma_wait3A_80 = arith.constant 0 : i32
    %dma_wait3A_81 = tpu.memref_slice %arg2[%get3A_49, %dma_wait3A_80] : memref<1024x16384xf32, #tpu.memory_space<hbm>> -> memref<1x16384xf32, #tpu.memory_space<hbm>>
    %dma_wait3A_82 = tpu.memref_squeeze %dma_wait3A_81 : memref<1x16384xf32, #tpu.memory_space<hbm>> -> memref<16384xf32, #tpu.memory_space<hbm>>
    tpu.wait_dma2 semaphore(%arg6 : memref<!tpu.dma_semaphore, #tpu.memory_space<semaphore_mem>>) src(%dma_wait3A_82 : memref<16384xf32, #tpu.memory_space<hbm>>) dst(%dma_wait3A_79 : memref<16384xf32, #tpu.memory_space<hbm>>)
    return
  }
}

module attributes {stable_mosaic.version = 14 : i64} {
  func.func @_dist_body(%arg0: i32, %arg1: memref<8x16384xf32, #tpu.memory_space<vmem>>, %arg2: memref<128x4096xf32, #tpu.memory_space<vmem>>, %arg3: memref<128x4096xf32, #tpu.memory_space<vmem>>, %arg4: memref<128x4096xf32, #tpu.memory_space<vmem>>, %arg5: memref<128x4096xf32, #tpu.memory_space<vmem>>, %arg6: memref<8x1xi32, #tpu.memory_space<vmem>>, %arg7: memref<1x1xf32, #tpu.memory_space<vmem>>, %arg8: memref<8x1xf32, #tpu.memory_space<vmem>>, %arg9: memref<8x1xi32, #tpu.memory_space<vmem>>) attributes {dimension_semantics = [#tpu.dimension_semantics<arbitrary>], iteration_bounds = array<i64: 8>, scalar_prefetch = 0 : i64, scratch_operands = 2 : i64, tpu.core_type = #tpu.core_type<tc>, window_params = [{pipeline_mode = #tpu.pipeline_mode<synchronous>, transform_indices = @transform_0, window_bounds = array<i64: 8, 16384>}, {transform_indices = @transform_1, window_bounds = array<i64: 128, 4096>}, {transform_indices = @transform_2, window_bounds = array<i64: 128, 4096>}, {transform_indices = @transform_3, window_bounds = array<i64: 128, 4096>}, {transform_indices = @transform_4, window_bounds = array<i64: 128, 4096>}, {pipeline_mode = #tpu.pipeline_mode<synchronous>, transform_indices = @transform_5, window_bounds = array<i64: 8, 1>}, {pipeline_mode = #tpu.pipeline_mode<synchronous>, transform_indices = @transform_6, window_bounds = array<i64: 1, 1>}]} {
    %get3A = arith.constant 0 : index
    %get3A_0 = arith.constant 0 : index
    %get3A_1 = vector.load %arg1[%get3A, %get3A_0] : memref<8x16384xf32, #tpu.memory_space<vmem>>, vector<8x16384xf32>
    %get3A_2 = arith.constant 0 : index
    %get3A_3 = arith.constant 0 : index
    %get3A_4 = vector.load %arg2[%get3A_2, %get3A_3] : memref<128x4096xf32, #tpu.memory_space<vmem>>, vector<128x4096xf32>
    %slice3A = vector.extract_strided_slice %get3A_1 {offsets = [0, 0], sizes = [8, 4096], strides = [1, 1]} : vector<8x16384xf32> to vector<8x4096xf32>
    %dot_general3A = arith.constant dense<0.000000e+00> : vector<8x128xf32>
    %dot_general3A_5 = tpu.matmul %slice3A, %get3A_4, %dot_general3A {dimension_numbers = #tpu.dot_dimension_numbers<[1], [1], [0], [0], [0, 0, 1, 0], [], []>, transpose_lhs_hint = false} : vector<8x4096xf32>, vector<128x4096xf32>, vector<8x128xf32> -> vector<8x128xf32>
    %mul3A = arith.mulf %get3A_4, %get3A_4 : vector<128x4096xf32>
    %reduce_sum3A = arith.constant dense<0.000000e+00> : vector<128xf32>
    %reduce_sum3A_6 = vector.multi_reduction <add>, %mul3A, %reduce_sum3A [1] : vector<128x4096xf32> to vector<128xf32>
    %get3A_7 = arith.constant 0 : index
    %get3A_8 = arith.constant 0 : index
    %get3A_9 = vector.load %arg3[%get3A_7, %get3A_8] : memref<128x4096xf32, #tpu.memory_space<vmem>>, vector<128x4096xf32>
    %slice3A_10 = vector.extract_strided_slice %get3A_1 {offsets = [0, 4096], sizes = [8, 4096], strides = [1, 1]} : vector<8x16384xf32> to vector<8x4096xf32>
    %dot_general3A_11 = arith.constant dense<0.000000e+00> : vector<8x128xf32>
    %dot_general3A_12 = tpu.matmul %slice3A_10, %get3A_9, %dot_general3A_11 {dimension_numbers = #tpu.dot_dimension_numbers<[1], [1], [0], [0], [0, 0, 1, 0], [], []>, transpose_lhs_hint = false} : vector<8x4096xf32>, vector<128x4096xf32>, vector<8x128xf32> -> vector<8x128xf32>
    %mul3A_13 = arith.mulf %get3A_9, %get3A_9 : vector<128x4096xf32>
    %reduce_sum3A_14 = arith.constant dense<0.000000e+00> : vector<128xf32>
    %reduce_sum3A_15 = vector.multi_reduction <add>, %mul3A_13, %reduce_sum3A_14 [1] : vector<128x4096xf32> to vector<128xf32>
    %add3A = arith.addf %dot_general3A_5, %dot_general3A_12 : vector<8x128xf32>
    %add3A_16 = arith.addf %reduce_sum3A_6, %reduce_sum3A_15 : vector<128xf32>
    %get3A_17 = arith.constant 0 : index
    %get3A_18 = arith.constant 0 : index
    %get3A_19 = vector.load %arg4[%get3A_17, %get3A_18] : memref<128x4096xf32, #tpu.memory_space<vmem>>, vector<128x4096xf32>
    %slice3A_20 = vector.extract_strided_slice %get3A_1 {offsets = [0, 8192], sizes = [8, 4096], strides = [1, 1]} : vector<8x16384xf32> to vector<8x4096xf32>
    %dot_general3A_21 = arith.constant dense<0.000000e+00> : vector<8x128xf32>
    %dot_general3A_22 = tpu.matmul %slice3A_20, %get3A_19, %dot_general3A_21 {dimension_numbers = #tpu.dot_dimension_numbers<[1], [1], [0], [0], [0, 0, 1, 0], [], []>, transpose_lhs_hint = false} : vector<8x4096xf32>, vector<128x4096xf32>, vector<8x128xf32> -> vector<8x128xf32>
    %mul3A_23 = arith.mulf %get3A_19, %get3A_19 : vector<128x4096xf32>
    %reduce_sum3A_24 = arith.constant dense<0.000000e+00> : vector<128xf32>
    %reduce_sum3A_25 = vector.multi_reduction <add>, %mul3A_23, %reduce_sum3A_24 [1] : vector<128x4096xf32> to vector<128xf32>
    %add3A_26 = arith.addf %add3A, %dot_general3A_22 : vector<8x128xf32>
    %add3A_27 = arith.addf %add3A_16, %reduce_sum3A_25 : vector<128xf32>
    %get3A_28 = arith.constant 0 : index
    %get3A_29 = arith.constant 0 : index
    %get3A_30 = vector.load %arg5[%get3A_28, %get3A_29] : memref<128x4096xf32, #tpu.memory_space<vmem>>, vector<128x4096xf32>
    %slice3A_31 = vector.extract_strided_slice %get3A_1 {offsets = [0, 12288], sizes = [8, 4096], strides = [1, 1]} : vector<8x16384xf32> to vector<8x4096xf32>
    %dot_general3A_32 = arith.constant dense<0.000000e+00> : vector<8x128xf32>
    %dot_general3A_33 = tpu.matmul %slice3A_31, %get3A_30, %dot_general3A_32 {dimension_numbers = #tpu.dot_dimension_numbers<[1], [1], [0], [0], [0, 0, 1, 0], [], []>, transpose_lhs_hint = false} : vector<8x4096xf32>, vector<128x4096xf32>, vector<8x128xf32> -> vector<8x128xf32>
    %mul3A_34 = arith.mulf %get3A_30, %get3A_30 : vector<128x4096xf32>
    %reduce_sum3A_35 = arith.constant dense<0.000000e+00> : vector<128xf32>
    %reduce_sum3A_36 = vector.multi_reduction <add>, %mul3A_34, %reduce_sum3A_35 [1] : vector<128x4096xf32> to vector<128xf32>
    %add3A_37 = arith.addf %add3A_26, %dot_general3A_33 : vector<8x128xf32>
    %add3A_38 = arith.addf %add3A_27, %reduce_sum3A_36 : vector<128xf32>
    %broadcast_in_dim3A = vector.shape_cast %add3A_38 : vector<128xf32> to vector<1x128xf32>
    %mul3A_39 = arith.constant 2.000000e+00 : f32
    %mul3A_40 = vector.broadcast %mul3A_39 : f32 to vector<8x128xf32>
    %mul3A_41 = arith.mulf %mul3A_40, %add3A_37 : vector<8x128xf32>
    %sub3A = vector.broadcast %broadcast_in_dim3A : vector<1x128xf32> to vector<8x128xf32>
    %sub3A_42 = arith.subf %sub3A, %mul3A_41 : vector<8x128xf32>
    %reduce_min3A = arith.constant dense<0x7F800000> : vector<8xf32>
    %reduce_min3A_43 = vector.multi_reduction <minimumf>, %sub3A_42, %reduce_min3A [1] : vector<8x128xf32> to vector<8xf32>
    %broadcast_in_dim3A_44 = vector.shape_cast %reduce_min3A_43 : vector<8xf32> to vector<8x1xf32>
    %iota3A = tpu.iota {dimensions = array<i32: 1>} : vector<8x128xi32>
    %eq3A = vector.broadcast %broadcast_in_dim3A_44 : vector<8x1xf32> to vector<8x128xf32>
    %eq3A_45 = arith.cmpf oeq, %sub3A_42, %eq3A : vector<8x128xf32>
    %jit3A = arith.constant 1024 : i32
    %broadcast_in_dim3A_46 = vector.broadcast %jit3A : i32 to vector<8x128xi32>
    %select_n3A = arith.select %eq3A_45, %iota3A, %broadcast_in_dim3A_46 : vector<8x128xi1>, vector<8x128xi32>
    %reduce_min3A_47 = arith.constant dense<2147483647> : vector<8xi32>
    %reduce_min3A_48 = vector.multi_reduction <minsi>, %select_n3A, %reduce_min3A_47 [1] : vector<8x128xi32> to vector<8xi32>
    %broadcast_in_dim3A_49 = vector.shape_cast %reduce_min3A_48 : vector<8xi32> to vector<8x1xi32>
    %mul3A_50 = arith.constant 128 : i32
    %mul3A_51 = arith.muli %arg0, %mul3A_50 : i32
    %add3A_52 = vector.broadcast %mul3A_51 : i32 to vector<8x1xi32>
    %add3A_53 = arith.addi %broadcast_in_dim3A_49, %add3A_52 : vector<8x1xi32>
    %eq3A_54 = arith.constant 0 : i32
    %eq3A_55 = arith.cmpi eq, %arg0, %eq3A_54 : i32
    %convert_element_type3A = arith.extui %eq3A_55 : i1 to i32
    %cond3A = arith.constant 0 : i32
    %cond3A_56 = arith.cmpi ne, %convert_element_type3A, %cond3A : i32
    scf.if %cond3A_56 {
      %swap3A = arith.constant 0 : index
      %swap3A_66 = arith.constant 0 : index
      %swap3A_67 = vector.load %arg8[%swap3A, %swap3A_66] : memref<8x1xf32, #tpu.memory_space<vmem>>, vector<8x1xf32>
      tpu.vector_store %arg8[%swap3A, %swap3A_66], %broadcast_in_dim3A_44 {strides = array<i32>} : memref<8x1xf32, #tpu.memory_space<vmem>>, vector<8x1xf32>,
      %swap3A_68 = arith.constant 0 : index
      %swap3A_69 = arith.constant 0 : index
      %swap3A_70 = vector.load %arg9[%swap3A_68, %swap3A_69] : memref<8x1xi32, #tpu.memory_space<vmem>>, vector<8x1xi32>
      tpu.vector_store %arg9[%swap3A_68, %swap3A_69], %add3A_53 {strides = array<i32>} : memref<8x1xi32, #tpu.memory_space<vmem>>, vector<8x1xi32>,
    } else {
    }
    %gt3A = arith.constant 0 : i32
    %gt3A_57 = arith.cmpi sgt, %arg0, %gt3A : i32
    %convert_element_type3A_58 = arith.extui %gt3A_57 : i1 to i32
    %cond3A_59 = arith.constant 0 : i32
    %cond3A_60 = arith.cmpi ne, %convert_element_type3A_58, %cond3A_59 : i32
    scf.if %cond3A_60 {
      %get3A_66 = arith.constant 0 : index
      %get3A_67 = arith.constant 0 : index
      %get3A_68 = vector.load %arg8[%get3A_66, %get3A_67] : memref<8x1xf32, #tpu.memory_space<vmem>>, vector<8x1xf32>
      %lt3A = arith.cmpf olt, %broadcast_in_dim3A_44, %get3A_68 : vector<8x1xf32>
      %get3A_69 = arith.constant 0 : index
      %get3A_70 = arith.constant 0 : index
      %get3A_71 = vector.load %arg8[%get3A_69, %get3A_70] : memref<8x1xf32, #tpu.memory_space<vmem>>, vector<8x1xf32>
      %select_n3A_72 = arith.select %lt3A, %broadcast_in_dim3A_44, %get3A_71 : vector<8x1xi1>, vector<8x1xf32>
      %swap3A = arith.constant 0 : index
      %swap3A_73 = arith.constant 0 : index
      %swap3A_74 = vector.load %arg8[%swap3A, %swap3A_73] : memref<8x1xf32, #tpu.memory_space<vmem>>, vector<8x1xf32>
      tpu.vector_store %arg8[%swap3A, %swap3A_73], %select_n3A_72 {strides = array<i32>} : memref<8x1xf32, #tpu.memory_space<vmem>>, vector<8x1xf32>,
      %get3A_75 = arith.constant 0 : index
      %get3A_76 = arith.constant 0 : index
      %get3A_77 = vector.load %arg9[%get3A_75, %get3A_76] : memref<8x1xi32, #tpu.memory_space<vmem>>, vector<8x1xi32>
      %select_n3A_78 = arith.select %lt3A, %add3A_53, %get3A_77 : vector<8x1xi1>, vector<8x1xi32>
      %swap3A_79 = arith.constant 0 : index
      %swap3A_80 = arith.constant 0 : index
      %swap3A_81 = vector.load %arg9[%swap3A_79, %swap3A_80] : memref<8x1xi32, #tpu.memory_space<vmem>>, vector<8x1xi32>
      tpu.vector_store %arg9[%swap3A_79, %swap3A_80], %select_n3A_78 {strides = array<i32>} : memref<8x1xi32, #tpu.memory_space<vmem>>, vector<8x1xi32>,
    } else {
    }
    %eq3A_61 = arith.constant 7 : i32
    %eq3A_62 = arith.cmpi eq, %arg0, %eq3A_61 : i32
    %convert_element_type3A_63 = arith.extui %eq3A_62 : i1 to i32
    %cond3A_64 = arith.constant 0 : i32
    %cond3A_65 = arith.cmpi ne, %convert_element_type3A_63, %cond3A_64 : i32
    scf.if %cond3A_65 {
      %mul3A_66 = arith.mulf %get3A_1, %get3A_1 : vector<8x16384xf32>
      %reduce_sum3A_67 = arith.constant dense<0.000000e+00> : vector<8xf32>
      %reduce_sum3A_68 = vector.multi_reduction <add>, %mul3A_66, %reduce_sum3A_67 [1] : vector<8x16384xf32> to vector<8xf32>
      %broadcast_in_dim3A_69 = vector.shape_cast %reduce_sum3A_68 : vector<8xf32> to vector<8x1xf32>
      %get3A_70 = arith.constant 0 : index
      %get3A_71 = arith.constant 0 : index
      %get3A_72 = vector.load %arg8[%get3A_70, %get3A_71] : memref<8x1xf32, #tpu.memory_space<vmem>>, vector<8x1xf32>
      %add3A_73 = arith.addf %get3A_72, %broadcast_in_dim3A_69 : vector<8x1xf32>
      %reduce_sum3A_74 = vector.shape_cast %add3A_73 : vector<8x1xf32> to vector<1x8x1xf32>
      %reduce_sum3A_75 = arith.constant dense<0.000000e+00> : vector<1xf32>
      %reduce_sum3A_76 = vector.multi_reduction <add>, %reduce_sum3A_74, %reduce_sum3A_75 [1, 2] : vector<1x8x1xf32> to vector<1xf32>
      %reduce_sum3A_77 = vector.shape_cast %reduce_sum3A_76 : vector<1xf32> to vector<1x1x1xf32>
      %reduce_sum3A_78 = vector.extract %reduce_sum3A_77[0, 0, 0] : f32 from vector<1x1x1xf32>
      %broadcast_in_dim3A_79 = vector.broadcast %reduce_sum3A_78 : f32 to vector<1x1xf32>
      %mul3A_80 = arith.constant 9.53674316E-6 : f32
      %mul3A_81 = vector.broadcast %mul3A_80 : f32 to vector<1x1xf32>
      %mul3A_82 = arith.mulf %mul3A_81, %broadcast_in_dim3A_79 : vector<1x1xf32>
      %swap3A = arith.constant 0 : index
      %swap3A_83 = arith.constant 0 : index
      %swap3A_84 = vector.load %arg7[%swap3A, %swap3A_83] : memref<1x1xf32, #tpu.memory_space<vmem>>, vector<1x1xf32>
      tpu.vector_store %arg7[%swap3A, %swap3A_83], %mul3A_82 {strides = array<i32>} : memref<1x1xf32, #tpu.memory_space<vmem>>, vector<1x1xf32>,
      %get3A_85 = arith.constant 0 : index
      %get3A_86 = arith.constant 0 : index
      %get3A_87 = vector.load %arg9[%get3A_85, %get3A_86] : memref<8x1xi32, #tpu.memory_space<vmem>>, vector<8x1xi32>
      %swap3A_88 = arith.constant 0 : index
      %swap3A_89 = arith.constant 0 : index
      %swap3A_90 = vector.load %arg6[%swap3A_88, %swap3A_89] : memref<8x1xi32, #tpu.memory_space<vmem>>, vector<8x1xi32>
      tpu.vector_store %arg6[%swap3A_88, %swap3A_89], %get3A_87 {strides = array<i32>} : memref<8x1xi32, #tpu.memory_space<vmem>>, vector<8x1xi32>,
    } else {
    }
    return
  }
  func.func @transform_0(%arg0: i32) -> (i32, i32) {
    %c0_i32 = arith.constant 0 : i32
    %c0_i32_0 = arith.constant 0 : i32
    %c0_i32_1 = arith.constant 0 : i32
    return %c0_i32, %c0_i32_0 : i32, i32
  }
  func.func @transform_1(%arg0: i32) -> (i32, i32) {
    %c0_i32 = arith.constant 0 : i32
    %c0_i32_0 = arith.constant 0 : i32
    return %arg0, %c0_i32 : i32, i32
  }
  func.func @transform_2(%arg0: i32) -> (i32, i32) {
    %c1_i32 = arith.constant 1 : i32
    %c0_i32 = arith.constant 0 : i32
    return %arg0, %c1_i32 : i32, i32
  }
  func.func @transform_3(%arg0: i32) -> (i32, i32) {
    %c2_i32 = arith.constant 2 : i32
    %c0_i32 = arith.constant 0 : i32
    return %arg0, %c2_i32 : i32, i32
  }
  func.func @transform_4(%arg0: i32) -> (i32, i32) {
    %c3_i32 = arith.constant 3 : i32
    %c0_i32 = arith.constant 0 : i32
    return %arg0, %c3_i32 : i32, i32
  }
  func.func @transform_5(%arg0: i32) -> (i32, i32) {
    %c0_i32 = arith.constant 0 : i32
    %c0_i32_0 = arith.constant 0 : i32
    %c0_i32_1 = arith.constant 0 : i32
    return %c0_i32, %c0_i32_0 : i32, i32
  }
  func.func @transform_6(%arg0: i32) -> (i32, i32) {
    %c0_i32 = arith.constant 0 : i32
    %c0_i32_0 = arith.constant 0 : i32
    %c0_i32_1 = arith.constant 0 : i32
    return %c0_i32, %c0_i32_0 : i32, i32
  }
}

</mosaic_0001>

<sc_bundles>
// kernel: kernel.4.cloned.1.call-start
scs
__scs_entry_jumppad:
0x0: {  	(pc) =	sbr.rel $0x88, $3  }
0x1: {  	(tag) =	ssettag $0x0;
	lr =	simm.s32 $0x1  }
0x2: {  	[smem:$0x3F9F] =	sst lr;
	_ =	strace $0xD0000000  }
0x3: {  	_ = 	snop  }
0x4: {  	_ = 	snop  }
0x5: {  	_ = 	snop  }
0x6: {  	_ = 	snop  }
0x7: {  	_ = 	snop  }
__scs_overlays_trampoline_lowered:
0x8: {  	[smem:$0x3FAE] =	sst s0  }
0x9: {  	[smem:$0x3FAF] =	sst s1  }
0xa: {  	[smem:$0x3FB0] =	sst s2  }
0xb: {  	[smem:$0x3FB1] =	sst s3  }
0xc: {  	[smem:$0x3FB2] =	sst s4  }
0xd: {  	[smem:$0x3FB3] =	sst s5  }
0xe: {  	[smem:$0x3FB4] =	sst s6  }
0xf: {  	[smem:$0x3FB5] =	sst s7  }
0x10: {  	[smem:$0x3FB6] =	sst s8  }
0x11: {  	[smem:$0x3FB7] =	sst s9;
	s0 =	simm.s32 @!p0 $0x0  }
0x12: {  	s1 =	sld [smem:$0x3F9D];
	s0 =	simm.s32 @p0 $0x1  }
0x13: {  	[smem:$0x3FB8] =	sst s0;
	s0 =	simm.s32 @!p1 $0x0  }
0x14: {  	s2 =	sld [smem:$0x3F9C];
	s0 =	simm.s32 @p1 $0x1  }
0x15: {  	[smem:$0x3FB9] =	sst s0;
	s0 =	simm.s32 @!p2 $0x0  }
0x16: {  	s3 =	sld [smem:$0x3FDB];
	s0 =	simm.s32 @p2 $0x1  }
0x17: {  	s4 =	simm.s32 $0x1BF5;
	[smem:$0x3FBB] =	sst s0  }
0x18: {  	s0 =	sld [smem:$0x3F9E];
	_ =	swait.ge [sflag:s4], $0x0  }
0x19: {  	s7 =	sld [smem:$0x3F9F]  }
0x1a: {  	s8 =	sadd.s32 $0xFFFFE003, lr  }
0x1b: {  	s9 =	sadd.s32 $0xFFFFFEF7, lr;
	s5 =	simm.s32 $0xFFFFFFFF;
	p2 =	slt.u32 s8, $0xFFFFF086  }
0x1c: {  	p1 =	slt.u32 s9, $0xF7A;
	s5 =	simm.s32 @!p2 $0x0  }
0x1d: {  	s5 =	simm.s32 @p1 $0x1;
	p0 =	seq.s32 s7, s2  }
0x1e: {  	s7 =	smul.u32 @!p0 $0xF7A, s2;
	p2 =	seq.s32 @!p0 s5, $0x0  }
0x1f: {  	s9 =	smul.u32 $0xF7A, s1;
	s8 =	simm.s32 @!p0 $0x1BF5;
	p2 =	por !p2, p0  }
0x20: {  	[sflag:s8] =	ssyncset.s32 @!p0 $0xFFFFF086;
	s6 =	sadd.s32 @!p0 s3, s7;
	s7 =	simm.s32 @!p0 $0x108  }
0x21: {  	s3 =	sadd.s32 s3, s9;
	s6 =	sadd.s32 @!p0 $0x88, s6;
	s7 =	simm.s32 @p2 $0x1082  }
0x22: {  	[simem:s7], [sflag:s8] =	dma.local @!p0 [hbm:s6], $0xF7A  }
0x23: {  	s9 =	sor.u32 $0xD0000000, s2;
	s6 =	simm.s32 $0x108;
	_ =	swait.ge @!p0 [sflag:s8], $0x0  }
0x24: {  	s3 =	sadd.s32 $0x88, s3;
	s6 =	simm.s32 @!p1 $0x1082;
	[sflag:s4] =	ssyncset.s32 $0xFFFFF086  }
0x25: {  	[simem:s6], [sflag:s4] =	dma.local [hbm:s3], $0xF7A  }
0x26: {  	[smem:$0x3F9F] =	sst s1;
	(tag) =	ssettag s2;
	_ =	strace s9  }
0x27: {  	s1 =	sld [smem:$0x3FAF]  }
0x28: {  	s2 =	sld [smem:$0x3FB0]  }
0x29: {  	s4 =	sld [smem:$0x3FB2]  }
0x2a: {  	p0 =	seq.s32 s5, $0x0;
	s5 =	sld [smem:$0x3FB3]  }
0x2b: {  	s6 =	sld [smem:$0x3FB4]  }
0x2c: {  	s7 =	sld [smem:$0x3FB5]  }
0x2d: {  	s3 =	simm.s32 $0x108;
	s8 =	sld [smem:$0x3FB6]  }
0x2e: {  	s3 =	simm.s32 @!p0 $0x1082;
	s9 =	sld [smem:$0x3FB7]  }
0x2f: {  	lr =	sadd.s32 s0, s3;
	s0 =	sld [smem:$0x3FAE]  }
0x30: {  	s3 =	sld [smem:$0x3FB1]  }
0x31: {  	[smem:$0x3FBA] =	sst s10  }
0x32: {  	s10 =	sld [smem:$0x3FB8];
	_ =	sdelay $0x3  }
0x33: {  	p0 =	seq.s32 s10, $0x1;
	s10 =	sld [smem:$0x3FBA];
	_ =	sdelay $0x3  }
0x34: {  	[smem:$0x3FBA] =	sst s10  }
0x35: {  	s10 =	sld [smem:$0x3FB9];
	_ =	sdelay $0x3  }
0x36: {  	p1 =	seq.s32 s10, $0x1;
	s10 =	sld [smem:$0x3FBA];
	_ =	sdelay $0x3  }
0x37: {  	[smem:$0x3FBA] =	sst s10  }
0x38: {  	s10 =	sld [smem:$0x3FBB]  }
0x39: {  	_ = 	snop;
	(pc) =	sbr.ind lr, $3  }
0x3a: {  	_ = 	snop  }
0x3b: {  	_ = 	snop  }
0x3c: {  	p2 =	seq.s32 s10, $0x1;
	s10 =	sld [smem:$0x3FBA]  }
0x3d: {  	_ =	shalt  }
0x3e: {  	_ =	shalt  }
0x3f: {  	_ =	shalt  }
0x40: {  	_ =	shalt  }
0x41: {  	_ =	shalt  }
0x42: {  	_ =	shalt  }
0x43: {  	_ =	shalt  }
0x44: {  	_ =	shalt  }
0x45: {  	_ =	shalt  }
0x46: {  	_ =	shalt  }
0x47: {  	_ =	shalt  }
0x48: {  	_ =	shalt  }
0x49: {  	_ =	shalt  }
0x4a: {  	_ =	shalt  }
0x4b: {  	_ =	shalt  }
0x4c: {  	_ =	shalt  }
0x4d: {  	_ =	shalt  }
0x4e: {  	_ =	shalt  }
0x4f: {  	_ =	shalt  }
0x50: {  	_ =	shalt  }
0x51: {  	_ =	shalt  }
0x52: {  	_ =	shalt  }
0x53: {  	_ =	shalt  }
0x54: {  	_ =	shalt  }
0x55: {  	_ =	shalt  }
0x56: {  	_ =	shalt  }
0x57: {  	_ =	shalt  }
0x58: {  	_ =	shalt  }
0x59: {  	_ =	shalt  }
0x5a: {  	_ =	shalt  }
0x5b: {  	_ =	shalt  }
0x5c: {  	_ =	shalt  }
0x5d: {  	_ =	shalt  }
0x5e: {  	_ =	shalt  }
0x5f: {  	_ =	shalt  }
0x60: {  	_ =	shalt  }
0x61: {  	_ =	shalt  }
0x62: {  	_ =	shalt  }
0x63: {  	_ =	shalt  }
0x64: {  	_ =	shalt  }
0x65: {  	_ =	shalt  }
0x66: {  	_ =	shalt  }
0x67: {  	_ =	shalt  }
0x68: {  	_ =	shalt  }
0x69: {  	_ =	shalt  }
0x6a: {  	_ =	shalt  }
0x6b: {  	_ =	shalt  }
0x6c: {  	_ =	shalt  }
0x6d: {  	_ =	shalt  }
0x6e: {  	_ =	shalt  }
0x6f: {  	_ =	shalt  }
0x70: {  	_ =	shalt  }
0x71: {  	_ =	shalt  }
0x72: {  	_ =	shalt  }
0x73: {  	_ =	shalt  }
0x74: {  	_ =	shalt  }
0x75: {  	_ =	shalt  }
0x76: {  	_ =	shalt  }
0x77: {  	_ =	shalt  }
0x78: {  	_ =	shalt  }
0x79: {  	_ =	shalt  }
0x7a: {  	_ =	shalt  }
0x7b: {  	_ =	shalt  }
0x7c: {  	_ =	shalt  }
0x7d: {  	_ =	shalt  }
0x7e: {  	_ =	shalt  }
0x7f: {  	_ =	shalt  }
0x80: {  	_ =	shalt  }
0x81: {  	_ =	shalt  }
0x82: {  	_ =	shalt  }
0x83: {  	_ =	shalt  }
0x84: {  	_ =	shalt  }
0x85: {  	_ =	shalt  }
0x86: {  	_ =	shalt  }
0x87: {  	_ =	shalt  }
.Lfunc_end0:
.L_simem_size_0:
called_computation_lowered:
.L_overlay_start_0:
0x88: {  	s2 =	sld [smem:$0x3FD9]  }
0x89: {  	s3 =	sld [smem:$0x3FFE];
	_ =	sdelay $0x1  }
0x8a: {  	s1 =	srdreg.scid  }
0x8b: {  	s0 =	sand.u32 $0x1, s1  }
0x8c: {  	s8 =	sshll.u32 s0, $0xA;
	s2 =	sadd.s32 s3, s2  }
0x8d: {  	s2 =	sadd.s32 s2, s8  }
0x8e: {  	[smem:$0x3FC6] =	sst s2  }
0x8f: {  	_ = 	snop  }
0x90: {  	s9 =	sld [smem:$0x3FD0];
	_ =	sdelay $0x2  }
0x91: {  	s4 =	simm.s32 $0xB;
	s5 =	simm.s32 $0x90;
	s2 =	sld [smem:$0x3FC8]  }
0x92: {  	[smem:s5], [sflag:s4] =	dma.local [hbm:s9], $0x1  }
0x93: {  	_ =	swait.eq [sflag:s4], $0x1  }
0x94: {  	[sflag:s4] =	ssyncset.done $0x0  }
0x95: {  	s11 =	simm.s32 $0x0;
	s10 =	sld [smem:$0x90];
	[sflag:s4] =	ssyncadd.s32 $0xFFFFFFFF  }
0x96: {  	[smem:$0xF] =	sst s11  }
0x97: {  	(tm) =	ssettm $0x1  }
0x98: {  	s12 =	sld [smem:$0x3FFB];
	_ =	sdelay $0x3  }
0x99: {  	_ =	strace s12  }
0x9a: {  	s4 =	sld [smem:$0x3FFC];
	_ =	sdelay $0x3  }
0x9b: {  	_ =	strace s4  }
0x9c: {  	s4 =	sld [smem:$0x3FFD];
	_ =	sdelay $0x3  }
0x9d: {  	_ =	strace s4  }
0x9e: {  	s13 =	simm.s32 $0x1B8B;
	_ =	strace $0x8FFFFFFF  }
0x9f: {  	_ =	swait.ge [sflag:s13], $0x1  }
0xa0: {  	s14 =	sld [smem:$0x3FFE]  }
0xa1: {  	[sflag:s13] =	ssyncset.done $0x0  }
0xa2: {  	s15 =	simm.s32 $0x1B8E;
	[sflag:s13] =	ssyncadd.s32 $0xFFFFFFFF  }
0xa3: {  	s17 =	simm.s32 $0x9;
	[smem:$0x3FD2] =	sst s15  }
0xa4: {  	s6 =	simm.s32 $0x10;
	_ =	strace $0x80000046;
	s16 =	sadd.s32 $0x200, s14  }
0xa5: {  	[smem:s6], [sflag:s17] =	dma.local [hbm:s16], $0x10  }
0xa6: {  	_ =	swait.ge [sflag:s17], $0x10  }
0xa7: {  	s18 =	sshll.u32 s0, $0x2;
	[sflag:s17] =	ssyncset.done $0x0  }
0xa8: {  	s19 =	sor.u32 $0x10, s18;
	[sflag:s17] =	ssyncadd.s32 $0xFFFFFFF0  }
0xa9: {  	s5 =	sld [smem:s19+$0x0];
	_ =	sdelay $0x3  }
0xaa: {  	s20 =	sshll.u32 s5, $0xE;
	s5 =	sshll.u32 s5, $0x7  }
0xab: {  	s6 =	sand.u32 $0xFFFE0000, s20;
	s5 =	sand.u32 $0x380, s5  }
0xac: {  	s22 =	simm.s32 $0x1;
	s7 =	simm.s32 $0x80;
	s5 =	sor.u32 s5, s6  }
0xad: {  	s21 =	sshll.u32 s0, $0x6;
	s23 =	sor.u32 $0x11, s18;
	s5 =	sshrl.u32 s5, $0x3  }
0xae: {  	s8 =	simm.s32 $0xA;
	s3 =	sadd.s32 s21, s10;
	s5 =	sadd.s32 s2, s5  }
0xaf: {  	[hbm:s3@s7], [sflag:s8] =	dma.strided [hbm:s5@s7], $0x800, s22, $0x10   }
0xb0: {  	s5 =	sld [smem:s23+$0x0];
	_ =	sdelay $0x3  }
0xb1: {  	s9 =	sshll.u32 s5, $0xE;
	s5 =	sshll.u32 s5, $0x7  }
0xb2: {  	s9 =	sand.u32 $0xFFFE0000, s9;
	s5 =	sand.u32 $0x380, s5  }
0xb3: {  	s5 =	sor.u32 s5, s9  }
0xb4: {  	s5 =	sshrl.u32 s5, $0x3  }
0xb5: {  	s25 =	sor.u32 $0x12, s18;
	s24 =	sadd.s32 $0x10, s3;
	s5 =	sadd.s32 s2, s5  }
0xb6: {  	[hbm:s24@s7], [sflag:s8] =	dma.strided [hbm:s5@s7], $0x800, s22, $0x10   }
0xb7: {  	s5 =	sld [smem:s25+$0x0];
	_ =	sdelay $0x3  }
0xb8: {  	s26 =	sshll.u32 s5, $0xE;
	s5 =	sshll.u32 s5, $0x7  }
0xb9: {  	s9 =	sand.u32 $0xFFFE0000, s26;
	s5 =	sand.u32 $0x380, s5  }
0xba: {  	s5 =	sor.u32 s5, s9  }
0xbb: {  	s5 =	sshrl.u32 s5, $0x3  }
0xbc: {  	s28 =	sadd.s32 $0x20, s3;
	s4 =	sor.u32 $0x13, s18;
	s5 =	sadd.s32 s2, s5  }
0xbd: {  	[hbm:s28@s7], [sflag:s8] =	dma.strided [hbm:s5@s7], $0x800, s22, $0x10   }
0xbe: {  	s4 =	sld [smem:s4+$0x0];
	_ =	sdelay $0x3  }
0xbf: {  	s29 =	sshll.u32 s4, $0xE;
	s4 =	sshll.u32 s4, $0x7  }
0xc0: {  	s5 =	sand.u32 $0xFFFE0000, s29;
	s4 =	sand.u32 $0x380, s4  }
0xc1: {  	s4 =	sor.u32 s4, s5  }
0xc2: {  	s4 =	sshrl.u32 s4, $0x3  }
0xc3: {  	s3 =	sadd.s32 $0x30, s3;
	s2 =	sadd.s32 s2, s4  }
0xc4: {  	[hbm:s3@s7], [sflag:s8] =	dma.strided [hbm:s2@s7], $0x800, s22, $0x10   }
0xc5: {  	_ =	swait.ge [sflag:s8], $0x800  }
0xc6: {  	[sflag:s8] =	ssyncset.done $0x0  }
0xc7: {  	[sflag:s8] =	ssyncadd.s32 $0xFFFFF800;
	_ =	sdelay $0x2  }
0xc8: {  	_ =	swait.ge [sflag:s8], $0x800  }
0xc9: {  	[sflag:s8] =	ssyncset.done $0x0  }
0xca: {  	[sflag:s8] =	ssyncadd.s32 $0xFFFFF800;
	_ =	sdelay $0x2  }
0xcb: {  	_ =	swait.ge [sflag:s8], $0x800  }
0xcc: {  	[sflag:s8] =	ssyncset.done $0x0  }
0xcd: {  	[sflag:s8] =	ssyncadd.s32 $0xFFFFF800;
	_ =	sdelay $0x2  }
0xce: {  	_ =	swait.ge [sflag:s8], $0x800  }
0xcf: {  	[sflag:s8] =	ssyncset.done $0x0  }
0xd0: {  	[sflag:s8] =	ssyncadd.s32 $0xFFFFF800  }
0xd1: {  	_ =	strace $0x90000046  }
0xd2: {  	_ =	sfence  }
0xd3: {  	s30 =	sld [smem:$0x0];
	_ =	sdelay $0x2  }
0xd4: {  	s31 =	sshll.u32 s1, $0xD;
	s1 =	sshrl.u32 s1, $0x2  }
0xd5: {  	s3 =	sand.u32 $0x4000, s31;
	s1 =	sadd.s32 s1, s30  }
0xd6: {  	s0 =	sor.u32 s3, s0;
	s1 =	sshll.u32 s1, $0x11  }
0xd7: {  	s0 =	sor.u32 s1, s0  }
0xd8: {  	s0 =	sadd.s32 $0x8F2B, s0;
	(pc) =	sbr.abs _section_cstart, $3  }
0xd9: {  	[sflag:s0] =	ssyncadd.remote.s32 $0x1  }
0xda: {  	_ =	strace $0x9FFFFFFF  }
0xdb: {  	(tm) =	ssettm $0x7FFFFFFF  }

</sc_bundles>
